<compile_context>
chip_gen: v7x
topology: tpu7x:2x2x1
jax: 0.10.2.dev20260603
libtpu: 0.0.44.dev20260713+nightly
codegen_flags: <defaults>
</compile_context>

<pallas_src>
import functools

import jax
import jax.numpy as jnp
from jax import lax
from jax.experimental import pallas as pl
from jax.experimental.pallas import tpu as pltpu
from jax.experimental.pallas import tpu_sc as plsc

B, S, D = 4, 8192, 2048
L = 16
W = 16
WPB = W // B
CHUNK = S // WPB
UNROLL = 16


@functools.partial(
    pl.kernel,
    mesh=plsc.VectorSubcoreMesh(core_axis_name="c", subcore_axis_name="s",
                                num_cores=1),
    compiler_params=pltpu.CompilerParams(needs_layout_passes=False),
    out_type=jax.ShapeDtypeStruct((B, D), jnp.float32),
    scratch_types=[
        pltpu.VMEM((CHUNK,), jnp.int32),
        pltpu.VMEM((D,), jnp.float32),
        pltpu.SMEM((1,), jnp.int32),
    ],
)
def _gather_last(logits_hbm, tok_hbm, out_hbm, tok_v, row_v, cnt_s):
    w = lax.axis_index("s")
    b = w // WPB
    c = w % WPB

    @pl.when(w < B)
    def _():
        cnt_s[0] = 0

    pltpu.sync_copy(tok_hbm.at[b, pl.ds(c * CHUNK, CHUNK)], tok_v)

    def body(i, acc):
        for j in range(UNROLL):
            x = tok_v[pl.ds((i * UNROLL + j) * L, L)]
            acc = acc + jnp.where(x != 0, 1, 0).astype(jnp.int32)
        return acc

    acc = lax.fori_loop(0, CHUNK // (L * UNROLL), body,
                        jnp.zeros((L,), jnp.int32))
    partial = jnp.sum(acc)
    plsc.subcore_barrier()
    plsc.fetch_and_add(cnt_s.at[0], partial, subcore_id=b)
    plsc.subcore_barrier()

    @pl.when(w < B)
    def _():
        row = jnp.maximum(cnt_s[0] - 1, 0)
        pltpu.sync_copy(logits_hbm.at[w, row], row_v)
        pltpu.sync_copy(row_v, out_hbm.at[w])


def kernel(logits, token_seq):
    return _gather_last(logits, token_seq.astype(jnp.int32))

# --- scband reference (transcript-rebuilt; emitter-appended) ---
"""Pipeline reference for scband-gather-last-token-89670327206286 (READ-ONLY COPY).

The authoritative reference and input builder live on the scoring server;
editing this copy changes nothing except your own understanding.
"""

import jax, jax.numpy as jnp
import numpy as np

PAD_TOKEN_ID = 0

def setup_inputs(seed: int = 0) -> dict:
    key = jax.random.key(seed)
    k1, k2 = jax.random.split(key)
    logits = jax.random.normal(k1, (4, 8192, 2048), dtype=jnp.float32)
    token_seq = jax.random.randint(k2, (4, 8192), 0, 32000, dtype=jnp.int64)
    return {"logits": logits, "token_seq": token_seq}

def reference(logits, token_seq):
    # sequence_lengths = sum(token_seq != pad_token_id) - 1
    sequence_lengths = jnp.sum((token_seq != PAD_TOKEN_ID).astype(jnp.int32), axis=-1) - 1
    # gather_nd with batch_dims=1: pick logits[b, sequence_lengths[b], :]
    idx = sequence_lengths[:, None, None]  # [B, 1, 1]
    out = jnp.take_along_axis(logits, idx, axis=1)  # [B, 1, D]
    return out[:, 0, :]

if __name__ == "__main__":
    import jax
    _d = setup_inputs()
    print(jax.jit(kernel)(*tuple(_d.values())))

</pallas_src>

<mosaic_0001>
#map = affine_map<(d0, d1) -> (0, 0, 0)>
#map1 = affine_map<(d0, d1) -> (0, 0)>
module attributes {stable_mosaic.version = 14 : i64} {
  func.func @_gather_last(%arg0: i32, %arg1: i32, %arg2: memref<4x8192x2048xf32, #tpu.memory_space<hbm>>, %arg3: memref<4x8192xi32, #tpu.memory_space<hbm>>, %arg4: memref<4x2048xf32, #tpu.memory_space<hbm>>, %arg5: memref<2048xi32, #tpu.memory_space<vmem>>, %arg6: memref<2048xf32, #tpu.memory_space<vmem>>, %arg7: memref<1xi32, #tpu.memory_space<smem>>) attributes {dimension_semantics = [#tpu.dimension_semantics<core_parallel>, #tpu.dimension_semantics<subcore_parallel>], iteration_bounds = array<i64: 1, 16>, scalar_prefetch = 0 : i64, scratch_operands = 3 : i64, tpu.core_type = #tpu.core_type<sc_vector_subcore>, window_params = [{transform_indices = #map}, {transform_indices = #map1}, {transform_indices = #map1}]} {
    %jit3A = arith.constant 4 : i32
    %div3A = arith.divsi %arg1, %jit3A : i32
    %sign3A = arith.constant 0 : i32
    %sign3A_0 = arith.cmpi sgt, %arg1, %sign3A : i32
    %sign3A_1 = arith.extui %sign3A_0 : i1 to i32
    %sign3A_2 = arith.constant 0 : i32
    %sign3A_3 = arith.cmpi slt, %arg1, %sign3A_2 : i32
    %sign3A_4 = arith.extui %sign3A_3 : i1 to i32
    %sign3A_5 = arith.subi %sign3A_1, %sign3A_4 : i32
    %sign3A_6 = arith.constant 0 : i32
    %sign3A_7 = arith.cmpi sgt, %jit3A, %sign3A_6 : i32
    %sign3A_8 = arith.extui %sign3A_7 : i1 to i32
    %sign3A_9 = arith.constant 0 : i32
    %sign3A_10 = arith.cmpi slt, %jit3A, %sign3A_9 : i32
    %sign3A_11 = arith.extui %sign3A_10 : i1 to i32
    %sign3A_12 = arith.subi %sign3A_8, %sign3A_11 : i32
    %ne3A = arith.cmpi ne, %sign3A_5, %sign3A_12 : i32
    %rem3A = arith.remsi %arg1, %jit3A : i32
    %ne3A_13 = arith.constant 0 : i32
    %ne3A_14 = arith.cmpi ne, %rem3A, %ne3A_13 : i32
    %and3A = arith.andi %ne3A, %ne3A_14 : i1
    %sub3A = arith.constant 1 : i32
    %sub3A_15 = arith.subi %div3A, %sub3A : i32
    %select_n3A = arith.select %and3A, %sub3A_15, %div3A : i32
    %jit3A_16 = arith.constant 4 : i32
    %eq3A = arith.constant 0 : i32
    %eq3A_17 = arith.cmpi eq, %jit3A_16, %eq3A : i32
    %jit3A_18 = arith.constant 1 : i32
    %select_n3A_19 = arith.select %eq3A_17, %jit3A_18, %jit3A_16 : i32
    %rem3A_20 = arith.remsi %arg1, %select_n3A_19 : i32
    %ne3A_21 = arith.constant 0 : i32
    %ne3A_22 = arith.cmpi ne, %rem3A_20, %ne3A_21 : i32
    %lt3A = arith.constant 0 : i32
    %lt3A_23 = arith.cmpi slt, %rem3A_20, %lt3A : i32
    %lt3A_24 = arith.constant 0 : i32
    %lt3A_25 = arith.cmpi slt, %select_n3A_19, %lt3A_24 : i32
    %ne3A_26 = arith.xori %lt3A_23, %lt3A_25 : i1
    %and3A_27 = arith.andi %ne3A_26, %ne3A_22 : i1
    %add3A = arith.addi %rem3A_20, %select_n3A_19 : i32
    %select_n3A_28 = arith.select %and3A_27, %add3A, %rem3A_20 : i32
    %lt3A_29 = arith.constant 4 : i32
    %lt3A_30 = arith.cmpi slt, %arg1, %lt3A_29 : i32
    %convert_element_type3A = arith.extui %lt3A_30 : i1 to i32
    %cond3A = arith.constant 0 : i32
    %cond3A_31 = arith.cmpi ne, %convert_element_type3A, %cond3A : i32
    scf.if %cond3A_31 {
      %swap3A = arith.constant 0 : i32
      %swap3A_49 = arith.constant 0 : i32
      %swap3A_50 = arith.index_cast %swap3A_49 : i32 to index
      %swap3A_51 = memref.load %arg7[%swap3A_50] : memref<1xi32, #tpu.memory_space<smem>>
      memref.store %swap3A, %arg7[%swap3A_50] : memref<1xi32, #tpu.memory_space<smem>>
    } else {
    }
    %mul3A = arith.constant 2048 : i32
    %mul3A_32 = arith.muli %select_n3A_28, %mul3A : i32
    "tpu.region"() ({
      %run_scoped3A = tpu.sem_alloc : memref<!tpu.dma_semaphore, #tpu.memory_space<semaphore_mem>>
      %dma_start3A = tpu.memref_slice %arg3[%select_n3A, %mul3A_32] : memref<4x8192xi32, #tpu.memory_space<hbm>> -> memref<1x2048xi32, #tpu.memory_space<hbm>>
      %dma_start3A_49 = tpu.memref_squeeze %dma_start3A : memref<1x2048xi32, #tpu.memory_space<hbm>> -> memref<2048xi32, #tpu.memory_space<hbm>>
      %dma_start3A_50 = tpu.memref_slice %arg3[%select_n3A, %mul3A_32] : memref<4x8192xi32, #tpu.memory_space<hbm>> -> memref<1x2048xi32, #tpu.memory_space<hbm>>
      %dma_start3A_51 = tpu.memref_squeeze %dma_start3A_50 : memref<1x2048xi32, #tpu.memory_space<hbm>> -> memref<2048xi32, #tpu.memory_space<hbm>>
      tpu.enqueue_dma source(%dma_start3A_51 : memref<2048xi32, #tpu.memory_space<hbm>>) target(%arg5 : memref<2048xi32, #tpu.memory_space<vmem>>) target_semaphore(%run_scoped3A : memref<!tpu.dma_semaphore, #tpu.memory_space<semaphore_mem>>)
      %dma_wait3A = tpu.memref_slice %arg3[%select_n3A, %mul3A_32] : memref<4x8192xi32, #tpu.memory_space<hbm>> -> memref<1x2048xi32, #tpu.memory_space<hbm>>
      %dma_wait3A_52 = tpu.memref_squeeze %dma_wait3A : memref<1x2048xi32, #tpu.memory_space<hbm>> -> memref<2048xi32, #tpu.memory_space<hbm>>
      %dma_wait3A_53 = tpu.memref_slice %arg3[%select_n3A, %mul3A_32] : memref<4x8192xi32, #tpu.memory_space<hbm>> -> memref<1x2048xi32, #tpu.memory_space<hbm>>
      %dma_wait3A_54 = tpu.memref_squeeze %dma_wait3A_53 : memref<1x2048xi32, #tpu.memory_space<hbm>> -> memref<2048xi32, #tpu.memory_space<hbm>>
      tpu.wait_dma2 semaphore(%run_scoped3A : memref<!tpu.dma_semaphore, #tpu.memory_space<semaphore_mem>>) src(%dma_wait3A_54 : memref<2048xi32, #tpu.memory_space<hbm>>) dst(%arg5 : memref<2048xi32, #tpu.memory_space<vmem>>)
      tpu.yield
    }) : () -> ()
    %broadcast_in_dim3A = arith.constant 0 : i32
    %broadcast_in_dim3A_33 = vector.broadcast %broadcast_in_dim3A : i32 to vector<16xi32>
    %scan3A = arith.constant 0 : i32
    %scan3A_34 = arith.constant 8 : i32
    %scan3A_35 = arith.addi %scan3A, %scan3A_34 : i32
    %scan3A_36 = arith.constant 1 : i32
    %scan3A_37 = scf.for %scan3A_49 = %scan3A to %scan3A_35 step %scan3A_36 iter_args(%scan3A_50 = %broadcast_in_dim3A_33) -> (vector<16xi32>)  : i32 {
      %mul3A_51 = arith.constant 16 : i32
      %mul3A_52 = arith.muli %scan3A_49, %mul3A_51 : i32
      %add3A_53 = arith.constant 0 : i32
      %add3A_54 = arith.addi %mul3A_52, %add3A_53 : i32
      %mul3A_55 = arith.constant 16 : i32
      %mul3A_56 = arith.muli %add3A_54, %mul3A_55 : i32
      %get3A = arith.index_cast %mul3A_56 : i32 to index
      %get3A_57 = tpu.vector_load %arg5[%get3A] {strides = array<i32>} : memref<2048xi32, #tpu.memory_space<vmem>>, vector<16xi32>,
      %ne3A_58 = arith.constant 0 : i32
      %ne3A_59 = vector.broadcast %ne3A_58 : i32 to vector<16xi32>
      %ne3A_60 = arith.cmpi ne, %get3A_57, %ne3A_59 : vector<16xi32>
      %jit3A_61 = arith.constant 1 : i32
      %jit3A_62 = arith.constant 0 : i32
      %broadcast_in_dim3A_63 = vector.broadcast %jit3A_61 : i32 to vector<16xi32>
      %broadcast_in_dim3A_64 = vector.broadcast %jit3A_62 : i32 to vector<16xi32>
      %select_n3A_65 = arith.select %ne3A_60, %broadcast_in_dim3A_63, %broadcast_in_dim3A_64 : vector<16xi1>, vector<16xi32>
      %add3A_66 = arith.addi %scan3A_50, %select_n3A_65 : vector<16xi32>
      %mul3A_67 = arith.constant 16 : i32
      %mul3A_68 = arith.muli %scan3A_49, %mul3A_67 : i32
      %add3A_69 = arith.constant 1 : i32
      %add3A_70 = arith.addi %mul3A_68, %add3A_69 : i32
      %mul3A_71 = arith.constant 16 : i32
      %mul3A_72 = arith.muli %add3A_70, %mul3A_71 : i32
      %get3A_73 = arith.index_cast %mul3A_72 : i32 to index
      %get3A_74 = tpu.vector_load %arg5[%get3A_73] {strides = array<i32>} : memref<2048xi32, #tpu.memory_space<vmem>>, vector<16xi32>,
      %ne3A_75 = arith.constant 0 : i32
      %ne3A_76 = vector.broadcast %ne3A_75 : i32 to vector<16xi32>
      %ne3A_77 = arith.cmpi ne, %get3A_74, %ne3A_76 : vector<16xi32>
      %jit3A_78 = arith.constant 1 : i32
      %jit3A_79 = arith.constant 0 : i32
      %broadcast_in_dim3A_80 = vector.broadcast %jit3A_78 : i32 to vector<16xi32>
      %broadcast_in_dim3A_81 = vector.broadcast %jit3A_79 : i32 to vector<16xi32>
      %select_n3A_82 = arith.select %ne3A_77, %broadcast_in_dim3A_80, %broadcast_in_dim3A_81 : vector<16xi1>, vector<16xi32>
      %add3A_83 = arith.addi %add3A_66, %select_n3A_82 : vector<16xi32>
      %mul3A_84 = arith.constant 16 : i32
      %mul3A_85 = arith.muli %scan3A_49, %mul3A_84 : i32
      %add3A_86 = arith.constant 2 : i32
      %add3A_87 = arith.addi %mul3A_85, %add3A_86 : i32
      %mul3A_88 = arith.constant 16 : i32
      %mul3A_89 = arith.muli %add3A_87, %mul3A_88 : i32
      %get3A_90 = arith.index_cast %mul3A_89 : i32 to index
      %get3A_91 = tpu.vector_load %arg5[%get3A_90] {strides = array<i32>} : memref<2048xi32, #tpu.memory_space<vmem>>, vector<16xi32>,
      %ne3A_92 = arith.constant 0 : i32
      %ne3A_93 = vector.broadcast %ne3A_92 : i32 to vector<16xi32>
      %ne3A_94 = arith.cmpi ne, %get3A_91, %ne3A_93 : vector<16xi32>
      %jit3A_95 = arith.constant 1 : i32
      %jit3A_96 = arith.constant 0 : i32
      %broadcast_in_dim3A_97 = vector.broadcast %jit3A_95 : i32 to vector<16xi32>
      %broadcast_in_dim3A_98 = vector.broadcast %jit3A_96 : i32 to vector<16xi32>
      %select_n3A_99 = arith.select %ne3A_94, %broadcast_in_dim3A_97, %broadcast_in_dim3A_98 : vector<16xi1>, vector<16xi32>
      %add3A_100 = arith.addi %add3A_83, %select_n3A_99 : vector<16xi32>
      %mul3A_101 = arith.constant 16 : i32
      %mul3A_102 = arith.muli %scan3A_49, %mul3A_101 : i32
      %add3A_103 = arith.constant 3 : i32
      %add3A_104 = arith.addi %mul3A_102, %add3A_103 : i32
      %mul3A_105 = arith.constant 16 : i32
      %mul3A_106 = arith.muli %add3A_104, %mul3A_105 : i32
      %get3A_107 = arith.index_cast %mul3A_106 : i32 to index
      %get3A_108 = tpu.vector_load %arg5[%get3A_107] {strides = array<i32>} : memref<2048xi32, #tpu.memory_space<vmem>>, vector<16xi32>,
      %ne3A_109 = arith.constant 0 : i32
      %ne3A_110 = vector.broadcast %ne3A_109 : i32 to vector<16xi32>
      %ne3A_111 = arith.cmpi ne, %get3A_108, %ne3A_110 : vector<16xi32>
      %jit3A_112 = arith.constant 1 : i32
      %jit3A_113 = arith.constant 0 : i32
      %broadcast_in_dim3A_114 = vector.broadcast %jit3A_112 : i32 to vector<16xi32>
      %broadcast_in_dim3A_115 = vector.broadcast %jit3A_113 : i32 to vector<16xi32>
      %select_n3A_116 = arith.select %ne3A_111, %broadcast_in_dim3A_114, %broadcast_in_dim3A_115 : vector<16xi1>, vector<16xi32>
      %add3A_117 = arith.addi %add3A_100, %select_n3A_116 : vector<16xi32>
      %mul3A_118 = arith.constant 16 : i32
      %mul3A_119 = arith.muli %scan3A_49, %mul3A_118 : i32
      %add3A_120 = arith.constant 4 : i32
      %add3A_121 = arith.addi %mul3A_119, %add3A_120 : i32
      %mul3A_122 = arith.constant 16 : i32
      %mul3A_123 = arith.muli %add3A_121, %mul3A_122 : i32
      %get3A_124 = arith.index_cast %mul3A_123 : i32 to index
      %get3A_125 = tpu.vector_load %arg5[%get3A_124] {strides = array<i32>} : memref<2048xi32, #tpu.memory_space<vmem>>, vector<16xi32>,
      %ne3A_126 = arith.constant 0 : i32
      %ne3A_127 = vector.broadcast %ne3A_126 : i32 to vector<16xi32>
      %ne3A_128 = arith.cmpi ne, %get3A_125, %ne3A_127 : vector<16xi32>
      %jit3A_129 = arith.constant 1 : i32
      %jit3A_130 = arith.constant 0 : i32
      %broadcast_in_dim3A_131 = vector.broadcast %jit3A_129 : i32 to vector<16xi32>
      %broadcast_in_dim3A_132 = vector.broadcast %jit3A_130 : i32 to vector<16xi32>
      %select_n3A_133 = arith.select %ne3A_128, %broadcast_in_dim3A_131, %broadcast_in_dim3A_132 : vector<16xi1>, vector<16xi32>
      %add3A_134 = arith.addi %add3A_117, %select_n3A_133 : vector<16xi32>
      %mul3A_135 = arith.constant 16 : i32
      %mul3A_136 = arith.muli %scan3A_49, %mul3A_135 : i32
      %add3A_137 = arith.constant 5 : i32
      %add3A_138 = arith.addi %mul3A_136, %add3A_137 : i32
      %mul3A_139 = arith.constant 16 : i32
      %mul3A_140 = arith.muli %add3A_138, %mul3A_139 : i32
      %get3A_141 = arith.index_cast %mul3A_140 : i32 to index
      %get3A_142 = tpu.vector_load %arg5[%get3A_141] {strides = array<i32>} : memref<2048xi32, #tpu.memory_space<vmem>>, vector<16xi32>,
      %ne3A_143 = arith.constant 0 : i32
      %ne3A_144 = vector.broadcast %ne3A_143 : i32 to vector<16xi32>
      %ne3A_145 = arith.cmpi ne, %get3A_142, %ne3A_144 : vector<16xi32>
      %jit3A_146 = arith.constant 1 : i32
      %jit3A_147 = arith.constant 0 : i32
      %broadcast_in_dim3A_148 = vector.broadcast %jit3A_146 : i32 to vector<16xi32>
      %broadcast_in_dim3A_149 = vector.broadcast %jit3A_147 : i32 to vector<16xi32>
      %select_n3A_150 = arith.select %ne3A_145, %broadcast_in_dim3A_148, %broadcast_in_dim3A_149 : vector<16xi1>, vector<16xi32>
      %add3A_151 = arith.addi %add3A_134, %select_n3A_150 : vector<16xi32>
      %mul3A_152 = arith.constant 16 : i32
      %mul3A_153 = arith.muli %scan3A_49, %mul3A_152 : i32
      %add3A_154 = arith.constant 6 : i32
      %add3A_155 = arith.addi %mul3A_153, %add3A_154 : i32
      %mul3A_156 = arith.constant 16 : i32
      %mul3A_157 = arith.muli %add3A_155, %mul3A_156 : i32
      %get3A_158 = arith.index_cast %mul3A_157 : i32 to index
      %get3A_159 = tpu.vector_load %arg5[%get3A_158] {strides = array<i32>} : memref<2048xi32, #tpu.memory_space<vmem>>, vector<16xi32>,
      %ne3A_160 = arith.constant 0 : i32
      %ne3A_161 = vector.broadcast %ne3A_160 : i32 to vector<16xi32>
      %ne3A_162 = arith.cmpi ne, %get3A_159, %ne3A_161 : vector<16xi32>
      %jit3A_163 = arith.constant 1 : i32
      %jit3A_164 = arith.constant 0 : i32
      %broadcast_in_dim3A_165 = vector.broadcast %jit3A_163 : i32 to vector<16xi32>
      %broadcast_in_dim3A_166 = vector.broadcast %jit3A_164 : i32 to vector<16xi32>
      %select_n3A_167 = arith.select %ne3A_162, %broadcast_in_dim3A_165, %broadcast_in_dim3A_166 : vector<16xi1>, vector<16xi32>
      %add3A_168 = arith.addi %add3A_151, %select_n3A_167 : vector<16xi32>
      %mul3A_169 = arith.constant 16 : i32
      %mul3A_170 = arith.muli %scan3A_49, %mul3A_169 : i32
      %add3A_171 = arith.constant 7 : i32
      %add3A_172 = arith.addi %mul3A_170, %add3A_171 : i32
      %mul3A_173 = arith.constant 16 : i32
      %mul3A_174 = arith.muli %add3A_172, %mul3A_173 : i32
      %get3A_175 = arith.index_cast %mul3A_174 : i32 to index
      %get3A_176 = tpu.vector_load %arg5[%get3A_175] {strides = array<i32>} : memref<2048xi32, #tpu.memory_space<vmem>>, vector<16xi32>,
      %ne3A_177 = arith.constant 0 : i32
      %ne3A_178 = vector.broadcast %ne3A_177 : i32 to vector<16xi32>
      %ne3A_179 = arith.cmpi ne, %get3A_176, %ne3A_178 : vector<16xi32>
      %jit3A_180 = arith.constant 1 : i32
      %jit3A_181 = arith.constant 0 : i32
      %broadcast_in_dim3A_182 = vector.broadcast %jit3A_180 : i32 to vector<16xi32>
      %broadcast_in_dim3A_183 = vector.broadcast %jit3A_181 : i32 to vector<16xi32>
      %select_n3A_184 = arith.select %ne3A_179, %broadcast_in_dim3A_182, %broadcast_in_dim3A_183 : vector<16xi1>, vector<16xi32>
      %add3A_185 = arith.addi %add3A_168, %select_n3A_184 : vector<16xi32>
      %mul3A_186 = arith.constant 16 : i32
      %mul3A_187 = arith.muli %scan3A_49, %mul3A_186 : i32
      %add3A_188 = arith.constant 8 : i32
      %add3A_189 = arith.addi %mul3A_187, %add3A_188 : i32
      %mul3A_190 = arith.constant 16 : i32
      %mul3A_191 = arith.muli %add3A_189, %mul3A_190 : i32
      %get3A_192 = arith.index_cast %mul3A_191 : i32 to index
      %get3A_193 = tpu.vector_load %arg5[%get3A_192] {strides = array<i32>} : memref<2048xi32, #tpu.memory_space<vmem>>, vector<16xi32>,
      %ne3A_194 = arith.constant 0 : i32
      %ne3A_195 = vector.broadcast %ne3A_194 : i32 to vector<16xi32>
      %ne3A_196 = arith.cmpi ne, %get3A_193, %ne3A_195 : vector<16xi32>
      %jit3A_197 = arith.constant 1 : i32
      %jit3A_198 = arith.constant 0 : i32
      %broadcast_in_dim3A_199 = vector.broadcast %jit3A_197 : i32 to vector<16xi32>
      %broadcast_in_dim3A_200 = vector.broadcast %jit3A_198 : i32 to vector<16xi32>
      %select_n3A_201 = arith.select %ne3A_196, %broadcast_in_dim3A_199, %broadcast_in_dim3A_200 : vector<16xi1>, vector<16xi32>
      %add3A_202 = arith.addi %add3A_185, %select_n3A_201 : vector<16xi32>
      %mul3A_203 = arith.constant 16 : i32
      %mul3A_204 = arith.muli %scan3A_49, %mul3A_203 : i32
      %add3A_205 = arith.constant 9 : i32
      %add3A_206 = arith.addi %mul3A_204, %add3A_205 : i32
      %mul3A_207 = arith.constant 16 : i32
      %mul3A_208 = arith.muli %add3A_206, %mul3A_207 : i32
      %get3A_209 = arith.index_cast %mul3A_208 : i32 to index
      %get3A_210 = tpu.vector_load %arg5[%get3A_209] {strides = array<i32>} : memref<2048xi32, #tpu.memory_space<vmem>>, vector<16xi32>,
      %ne3A_211 = arith.constant 0 : i32
      %ne3A_212 = vector.broadcast %ne3A_211 : i32 to vector<16xi32>
      %ne3A_213 = arith.cmpi ne, %get3A_210, %ne3A_212 : vector<16xi32>
      %jit3A_214 = arith.constant 1 : i32
      %jit3A_215 = arith.constant 0 : i32
      %broadcast_in_dim3A_216 = vector.broadcast %jit3A_214 : i32 to vector<16xi32>
      %broadcast_in_dim3A_217 = vector.broadcast %jit3A_215 : i32 to vector<16xi32>
      %select_n3A_218 = arith.select %ne3A_213, %broadcast_in_dim3A_216, %broadcast_in_dim3A_217 : vector<16xi1>, vector<16xi32>
      %add3A_219 = arith.addi %add3A_202, %select_n3A_218 : vector<16xi32>
      %mul3A_220 = arith.constant 16 : i32
      %mul3A_221 = arith.muli %scan3A_49, %mul3A_220 : i32
      %add3A_222 = arith.constant 10 : i32
      %add3A_223 = arith.addi %mul3A_221, %add3A_222 : i32
      %mul3A_224 = arith.constant 16 : i32
      %mul3A_225 = arith.muli %add3A_223, %mul3A_224 : i32
      %get3A_226 = arith.index_cast %mul3A_225 : i32 to index
      %get3A_227 = tpu.vector_load %arg5[%get3A_226] {strides = array<i32>} : memref<2048xi32, #tpu.memory_space<vmem>>, vector<16xi32>,
      %ne3A_228 = arith.constant 0 : i32
      %ne3A_229 = vector.broadcast %ne3A_228 : i32 to vector<16xi32>
      %ne3A_230 = arith.cmpi ne, %get3A_227, %ne3A_229 : vector<16xi32>
      %jit3A_231 = arith.constant 1 : i32
      %jit3A_232 = arith.constant 0 : i32
      %broadcast_in_dim3A_233 = vector.broadcast %jit3A_231 : i32 to vector<16xi32>
      %broadcast_in_dim3A_234 = vector.broadcast %jit3A_232 : i32 to vector<16xi32>
      %select_n3A_235 = arith.select %ne3A_230, %broadcast_in_dim3A_233, %broadcast_in_dim3A_234 : vector<16xi1>, vector<16xi32>
      %add3A_236 = arith.addi %add3A_219, %select_n3A_235 : vector<16xi32>
      %mul3A_237 = arith.constant 16 : i32
      %mul3A_238 = arith.muli %scan3A_49, %mul3A_237 : i32
      %add3A_239 = arith.constant 11 : i32
      %add3A_240 = arith.addi %mul3A_238, %add3A_239 : i32
      %mul3A_241 = arith.constant 16 : i32
      %mul3A_242 = arith.muli %add3A_240, %mul3A_241 : i32
      %get3A_243 = arith.index_cast %mul3A_242 : i32 to index
      %get3A_244 = tpu.vector_load %arg5[%get3A_243] {strides = array<i32>} : memref<2048xi32, #tpu.memory_space<vmem>>, vector<16xi32>,
      %ne3A_245 = arith.constant 0 : i32
      %ne3A_246 = vector.broadcast %ne3A_245 : i32 to vector<16xi32>
      %ne3A_247 = arith.cmpi ne, %get3A_244, %ne3A_246 : vector<16xi32>
      %jit3A_248 = arith.constant 1 : i32
      %jit3A_249 = arith.constant 0 : i32
      %broadcast_in_dim3A_250 = vector.broadcast %jit3A_248 : i32 to vector<16xi32>
      %broadcast_in_dim3A_251 = vector.broadcast %jit3A_249 : i32 to vector<16xi32>
      %select_n3A_252 = arith.select %ne3A_247, %broadcast_in_dim3A_250, %broadcast_in_dim3A_251 : vector<16xi1>, vector<16xi32>
      %add3A_253 = arith.addi %add3A_236, %select_n3A_252 : vector<16xi32>
      %mul3A_254 = arith.constant 16 : i32
      %mul3A_255 = arith.muli %scan3A_49, %mul3A_254 : i32
      %add3A_256 = arith.constant 12 : i32
      %add3A_257 = arith.addi %mul3A_255, %add3A_256 : i32
      %mul3A_258 = arith.constant 16 : i32
      %mul3A_259 = arith.muli %add3A_257, %mul3A_258 : i32
      %get3A_260 = arith.index_cast %mul3A_259 : i32 to index
      %get3A_261 = tpu.vector_load %arg5[%get3A_260] {strides = array<i32>} : memref<2048xi32, #tpu.memory_space<vmem>>, vector<16xi32>,
      %ne3A_262 = arith.constant 0 : i32
      %ne3A_263 = vector.broadcast %ne3A_262 : i32 to vector<16xi32>
      %ne3A_264 = arith.cmpi ne, %get3A_261, %ne3A_263 : vector<16xi32>
      %jit3A_265 = arith.constant 1 : i32
      %jit3A_266 = arith.constant 0 : i32
      %broadcast_in_dim3A_267 = vector.broadcast %jit3A_265 : i32 to vector<16xi32>
      %broadcast_in_dim3A_268 = vector.broadcast %jit3A_266 : i32 to vector<16xi32>
      %select_n3A_269 = arith.select %ne3A_264, %broadcast_in_dim3A_267, %broadcast_in_dim3A_268 : vector<16xi1>, vector<16xi32>
      %add3A_270 = arith.addi %add3A_253, %select_n3A_269 : vector<16xi32>
      %mul3A_271 = arith.constant 16 : i32
      %mul3A_272 = arith.muli %scan3A_49, %mul3A_271 : i32
      %add3A_273 = arith.constant 13 : i32
      %add3A_274 = arith.addi %mul3A_272, %add3A_273 : i32
      %mul3A_275 = arith.constant 16 : i32
      %mul3A_276 = arith.muli %add3A_274, %mul3A_275 : i32
      %get3A_277 = arith.index_cast %mul3A_276 : i32 to index
      %get3A_278 = tpu.vector_load %arg5[%get3A_277] {strides = array<i32>} : memref<2048xi32, #tpu.memory_space<vmem>>, vector<16xi32>,
      %ne3A_279 = arith.constant 0 : i32
      %ne3A_280 = vector.broadcast %ne3A_279 : i32 to vector<16xi32>
      %ne3A_281 = arith.cmpi ne, %get3A_278, %ne3A_280 : vector<16xi32>
      %jit3A_282 = arith.constant 1 : i32
      %jit3A_283 = arith.constant 0 : i32
      %broadcast_in_dim3A_284 = vector.broadcast %jit3A_282 : i32 to vector<16xi32>
      %broadcast_in_dim3A_285 = vector.broadcast %jit3A_283 : i32 to vector<16xi32>
      %select_n3A_286 = arith.select %ne3A_281, %broadcast_in_dim3A_284, %broadcast_in_dim3A_285 : vector<16xi1>, vector<16xi32>
      %add3A_287 = arith.addi %add3A_270, %select_n3A_286 : vector<16xi32>
      %mul3A_288 = arith.constant 16 : i32
      %mul3A_289 = arith.muli %scan3A_49, %mul3A_288 : i32
      %add3A_290 = arith.constant 14 : i32
      %add3A_291 = arith.addi %mul3A_289, %add3A_290 : i32
      %mul3A_292 = arith.constant 16 : i32
      %mul3A_293 = arith.muli %add3A_291, %mul3A_292 : i32
      %get3A_294 = arith.index_cast %mul3A_293 : i32 to index
      %get3A_295 = tpu.vector_load %arg5[%get3A_294] {strides = array<i32>} : memref<2048xi32, #tpu.memory_space<vmem>>, vector<16xi32>,
      %ne3A_296 = arith.constant 0 : i32
      %ne3A_297 = vector.broadcast %ne3A_296 : i32 to vector<16xi32>
      %ne3A_298 = arith.cmpi ne, %get3A_295, %ne3A_297 : vector<16xi32>
      %jit3A_299 = arith.constant 1 : i32
      %jit3A_300 = arith.constant 0 : i32
      %broadcast_in_dim3A_301 = vector.broadcast %jit3A_299 : i32 to vector<16xi32>
      %broadcast_in_dim3A_302 = vector.broadcast %jit3A_300 : i32 to vector<16xi32>
      %select_n3A_303 = arith.select %ne3A_298, %broadcast_in_dim3A_301, %broadcast_in_dim3A_302 : vector<16xi1>, vector<16xi32>
      %add3A_304 = arith.addi %add3A_287, %select_n3A_303 : vector<16xi32>
      %mul3A_305 = arith.constant 16 : i32
      %mul3A_306 = arith.muli %scan3A_49, %mul3A_305 : i32
      %add3A_307 = arith.constant 15 : i32
      %add3A_308 = arith.addi %mul3A_306, %add3A_307 : i32
      %mul3A_309 = arith.constant 16 : i32
      %mul3A_310 = arith.muli %add3A_308, %mul3A_309 : i32
      %get3A_311 = arith.index_cast %mul3A_310 : i32 to index
      %get3A_312 = tpu.vector_load %arg5[%get3A_311] {strides = array<i32>} : memref<2048xi32, #tpu.memory_space<vmem>>, vector<16xi32>,
      %ne3A_313 = arith.constant 0 : i32
      %ne3A_314 = vector.broadcast %ne3A_313 : i32 to vector<16xi32>
      %ne3A_315 = arith.cmpi ne, %get3A_312, %ne3A_314 : vector<16xi32>
      %jit3A_316 = arith.constant 1 : i32
      %jit3A_317 = arith.constant 0 : i32
      %broadcast_in_dim3A_318 = vector.broadcast %jit3A_316 : i32 to vector<16xi32>
      %broadcast_in_dim3A_319 = vector.broadcast %jit3A_317 : i32 to vector<16xi32>
      %select_n3A_320 = arith.select %ne3A_315, %broadcast_in_dim3A_318, %broadcast_in_dim3A_319 : vector<16xi1>, vector<16xi32>
      %add3A_321 = arith.addi %add3A_304, %select_n3A_320 : vector<16xi32>
      scf.yield %add3A_321 : vector<16xi32>
    }
    %scan3A_38 = arith.constant 8 : i32
    %reduce_sum3A = arith.constant true
    %reduce_sum3A_39 = vector.broadcast %reduce_sum3A : i1 to vector<16xi1>
    %reduce_sum3A_40 = tpu.scan <sum>, %scan3A_37 masked %reduce_sum3A_39 : vector<16xi32>, vector<16xi1> -> vector<16xi32>
    %reduce_sum3A_41 = vector.extract %reduce_sum3A_40[15] : i32 from vector<16xi32>
    %barrier3A = arith.constant 0 : index
    tpu.barrier barrier_id(%barrier3A)
    %sc_fetch_and_add3A = arith.constant 0 : i32
    %sc_fetch_and_add3A_42 = tpu.fetch_and_add_sync %arg7[%sc_fetch_and_add3A], %reduce_sum3A_41, %select_n3A : memref<1xi32, #tpu.memory_space<smem>>, i32 -> i32
    %barrier3A_43 = arith.constant 0 : index
    tpu.barrier barrier_id(%barrier3A_43)
    %lt3A_44 = arith.constant 4 : i32
    %lt3A_45 = arith.cmpi slt, %arg1, %lt3A_44 : i32
    %convert_element_type3A_46 = arith.extui %lt3A_45 : i1 to i32
    %cond3A_47 = arith.constant 0 : i32
    %cond3A_48 = arith.cmpi ne, %convert_element_type3A_46, %cond3A_47 : i32
    scf.if %cond3A_48 {
      %get3A = arith.constant 0 : i32
      %get3A_49 = arith.index_cast %get3A : i32 to index
      %get3A_50 = memref.load %arg7[%get3A_49] : memref<1xi32, #tpu.memory_space<smem>>
      %sub3A_51 = arith.constant 1 : i32
      %sub3A_52 = arith.subi %get3A_50, %sub3A_51 : i32
      %max3A = arith.constant 0 : i32
      %max3A_53 = arith.maxsi %sub3A_52, %max3A : i32
      "tpu.region"() ({
        %run_scoped3A = tpu.sem_alloc : memref<!tpu.dma_semaphore, #tpu.memory_space<semaphore_mem>>
        %dma_start3A = arith.constant 0 : i32
        %dma_start3A_54 = tpu.memref_slice %arg2[%arg1, %max3A_53, %dma_start3A] : memref<4x8192x2048xf32, #tpu.memory_space<hbm>> -> memref<1x1x2048xf32, #tpu.memory_space<hbm>>
        %dma_start3A_55 = tpu.memref_squeeze %dma_start3A_54 : memref<1x1x2048xf32, #tpu.memory_space<hbm>> -> memref<2048xf32, #tpu.memory_space<hbm>>
        %dma_start3A_56 = arith.constant 0 : i32
        %dma_start3A_57 = tpu.memref_slice %arg2[%arg1, %max3A_53, %dma_start3A_56] : memref<4x8192x2048xf32, #tpu.memory_space<hbm>> -> memref<1x1x2048xf32, #tpu.memory_space<hbm>>
        %dma_start3A_58 = tpu.memref_squeeze %dma_start3A_57 : memref<1x1x2048xf32, #tpu.memory_space<hbm>> -> memref<2048xf32, #tpu.memory_space<hbm>>
        tpu.enqueue_dma source(%dma_start3A_58 : memref<2048xf32, #tpu.memory_space<hbm>>) target(%arg6 : memref<2048xf32, #tpu.memory_space<vmem>>) target_semaphore(%run_scoped3A : memref<!tpu.dma_semaphore, #tpu.memory_space<semaphore_mem>>)
        %dma_wait3A = arith.constant 0 : i32
        %dma_wait3A_59 = tpu.memref_slice %arg2[%arg1, %max3A_53, %dma_wait3A] : memref<4x8192x2048xf32, #tpu.memory_space<hbm>> -> memref<1x1x2048xf32, #tpu.memory_space<hbm>>
        %dma_wait3A_60 = tpu.memref_squeeze %dma_wait3A_59 : memref<1x1x2048xf32, #tpu.memory_space<hbm>> -> memref<2048xf32, #tpu.memory_space<hbm>>
        %dma_wait3A_61 = arith.constant 0 : i32
        %dma_wait3A_62 = tpu.memref_slice %arg2[%arg1, %max3A_53, %dma_wait3A_61] : memref<4x8192x2048xf32, #tpu.memory_space<hbm>> -> memref<1x1x2048xf32, #tpu.memory_space<hbm>>
        %dma_wait3A_63 = tpu.memref_squeeze %dma_wait3A_62 : memref<1x1x2048xf32, #tpu.memory_space<hbm>> -> memref<2048xf32, #tpu.memory_space<hbm>>
        tpu.wait_dma2 semaphore(%run_scoped3A : memref<!tpu.dma_semaphore, #tpu.memory_space<semaphore_mem>>) src(%dma_wait3A_63 : memref<2048xf32, #tpu.memory_space<hbm>>) dst(%arg6 : memref<2048xf32, #tpu.memory_space<vmem>>)
        tpu.yield
      }) : () -> ()
      "tpu.region"() ({
        %run_scoped3A = tpu.sem_alloc : memref<!tpu.dma_semaphore, #tpu.memory_space<semaphore_mem>>
        %dma_start3A = arith.constant 0 : i32
        %dma_start3A_54 = tpu.memref_slice %arg4[%arg1, %dma_start3A] : memref<4x2048xf32, #tpu.memory_space<hbm>> -> memref<1x2048xf32, #tpu.memory_space<hbm>>
        %dma_start3A_55 = tpu.memref_squeeze %dma_start3A_54 : memref<1x2048xf32, #tpu.memory_space<hbm>> -> memref<2048xf32, #tpu.memory_space<hbm>>
        %dma_start3A_56 = arith.constant 0 : i32
        %dma_start3A_57 = tpu.memref_slice %arg4[%arg1, %dma_start3A_56] : memref<4x2048xf32, #tpu.memory_space<hbm>> -> memref<1x2048xf32, #tpu.memory_space<hbm>>
        %dma_start3A_58 = tpu.memref_squeeze %dma_start3A_57 : memref<1x2048xf32, #tpu.memory_space<hbm>> -> memref<2048xf32, #tpu.memory_space<hbm>>
        tpu.enqueue_dma source(%arg6 : memref<2048xf32, #tpu.memory_space<vmem>>) target(%dma_start3A_58 : memref<2048xf32, #tpu.memory_space<hbm>>) target_semaphore(%run_scoped3A : memref<!tpu.dma_semaphore, #tpu.memory_space<semaphore_mem>>)
        %dma_wait3A = arith.constant 0 : i32
        %dma_wait3A_59 = tpu.memref_slice %arg4[%arg1, %dma_wait3A] : memref<4x2048xf32, #tpu.memory_space<hbm>> -> memref<1x2048xf32, #tpu.memory_space<hbm>>
        %dma_wait3A_60 = tpu.memref_squeeze %dma_wait3A_59 : memref<1x2048xf32, #tpu.memory_space<hbm>> -> memref<2048xf32, #tpu.memory_space<hbm>>
        %dma_wait3A_61 = arith.constant 0 : i32
        %dma_wait3A_62 = tpu.memref_slice %arg4[%arg1, %dma_wait3A_61] : memref<4x2048xf32, #tpu.memory_space<hbm>> -> memref<1x2048xf32, #tpu.memory_space<hbm>>
        %dma_wait3A_63 = tpu.memref_squeeze %dma_wait3A_62 : memref<1x2048xf32, #tpu.memory_space<hbm>> -> memref<2048xf32, #tpu.memory_space<hbm>>
        tpu.wait_dma2 semaphore(%run_scoped3A : memref<!tpu.dma_semaphore, #tpu.memory_space<semaphore_mem>>) src(%arg6 : memref<2048xf32, #tpu.memory_space<vmem>>) dst(%dma_wait3A_63 : memref<2048xf32, #tpu.memory_space<hbm>>)
        tpu.yield
      }) : () -> ()
    } else {
    }
    return
  }
}

</mosaic_0001>

<sc_bundles>
// kernel: kernel.3.cloned.1.call-start
scs
__scs_entry_jumppad:
0x0: {  	(pc) =	sbr.rel $0x88, $3  }
0x1: {  	(tag) =	ssettag $0x0;
	lr =	simm.s32 $0x1  }
0x2: {  	[smem:$0x3F9F] =	sst lr;
	_ =	strace $0xD0000000  }
0x3: {  	_ = 	snop  }
0x4: {  	_ = 	snop  }
0x5: {  	_ = 	snop  }
0x6: {  	_ = 	snop  }
0x7: {  	_ = 	snop  }
__scs_overlays_trampoline_lowered:
0x8: {  	[smem:$0x3FAE] =	sst s0  }
0x9: {  	[smem:$0x3FAF] =	sst s1  }
0xa: {  	[smem:$0x3FB0] =	sst s2  }
0xb: {  	[smem:$0x3FB1] =	sst s3  }
0xc: {  	[smem:$0x3FB2] =	sst s4  }
0xd: {  	[smem:$0x3FB3] =	sst s5  }
0xe: {  	[smem:$0x3FB4] =	sst s6  }
0xf: {  	[smem:$0x3FB5] =	sst s7  }
0x10: {  	[smem:$0x3FB6] =	sst s8  }
0x11: {  	[smem:$0x3FB7] =	sst s9;
	s0 =	simm.s32 @!p0 $0x0  }
0x12: {  	s1 =	sld [smem:$0x3F9D];
	s0 =	simm.s32 @p0 $0x1  }
0x13: {  	[smem:$0x3FB8] =	sst s0;
	s0 =	simm.s32 @!p1 $0x0  }
0x14: {  	s2 =	sld [smem:$0x3F9C];
	s0 =	simm.s32 @p1 $0x1  }
0x15: {  	[smem:$0x3FB9] =	sst s0;
	s0 =	simm.s32 @!p2 $0x0  }
0x16: {  	s3 =	sld [smem:$0x3FDB];
	s0 =	simm.s32 @p2 $0x1  }
0x17: {  	s4 =	simm.s32 $0x1BF5;
	[smem:$0x3FBB] =	sst s0  }
0x18: {  	s0 =	sld [smem:$0x3F9E];
	_ =	swait.ge [sflag:s4], $0x0  }
0x19: {  	s7 =	sld [smem:$0x3F9F]  }
0x1a: {  	s8 =	sadd.s32 $0xFFFFE003, lr  }
0x1b: {  	s9 =	sadd.s32 $0xFFFFFEF7, lr;
	s5 =	simm.s32 $0xFFFFFFFF;
	p2 =	slt.u32 s8, $0xFFFFF086  }
0x1c: {  	p1 =	slt.u32 s9, $0xF7A;
	s5 =	simm.s32 @!p2 $0x0  }
0x1d: {  	s5 =	simm.s32 @p1 $0x1;
	p0 =	seq.s32 s7, s2  }
0x1e: {  	s7 =	smul.u32 @!p0 $0xF7A, s2;
	p2 =	seq.s32 @!p0 s5, $0x0  }
0x1f: {  	s9 =	smul.u32 $0xF7A, s1;
	s8 =	simm.s32 @!p0 $0x1BF5;
	p2 =	por !p2, p0  }
0x20: {  	[sflag:s8] =	ssyncset.s32 @!p0 $0xFFFFF086;
	s6 =	sadd.s32 @!p0 s3, s7;
	s7 =	simm.s32 @!p0 $0x108  }
0x21: {  	s3 =	sadd.s32 s3, s9;
	s6 =	sadd.s32 @!p0 $0x88, s6;
	s7 =	simm.s32 @p2 $0x1082  }
0x22: {  	[simem:s7], [sflag:s8] =	dma.local @!p0 [hbm:s6], $0xF7A  }
0x23: {  	s9 =	sor.u32 $0xD0000000, s2;
	s6 =	simm.s32 $0x108;
	_ =	swait.ge @!p0 [sflag:s8], $0x0  }
0x24: {  	s3 =	sadd.s32 $0x88, s3;
	s6 =	simm.s32 @!p1 $0x1082;
	[sflag:s4] =	ssyncset.s32 $0xFFFFF086  }
0x25: {  	[simem:s6], [sflag:s4] =	dma.local [hbm:s3], $0xF7A  }
0x26: {  	[smem:$0x3F9F] =	sst s1;
	(tag) =	ssettag s2;
	_ =	strace s9  }
0x27: {  	s1 =	sld [smem:$0x3FAF]  }
0x28: {  	s2 =	sld [smem:$0x3FB0]  }
0x29: {  	s4 =	sld [smem:$0x3FB2]  }
0x2a: {  	p0 =	seq.s32 s5, $0x0;
	s5 =	sld [smem:$0x3FB3]  }
0x2b: {  	s6 =	sld [smem:$0x3FB4]  }
0x2c: {  	s7 =	sld [smem:$0x3FB5]  }
0x2d: {  	s3 =	simm.s32 $0x108;
	s8 =	sld [smem:$0x3FB6]  }
0x2e: {  	s3 =	simm.s32 @!p0 $0x1082;
	s9 =	sld [smem:$0x3FB7]  }
0x2f: {  	lr =	sadd.s32 s0, s3;
	s0 =	sld [smem:$0x3FAE]  }
0x30: {  	s3 =	sld [smem:$0x3FB1]  }
0x31: {  	[smem:$0x3FBA] =	sst s10  }
0x32: {  	s10 =	sld [smem:$0x3FB8];
	_ =	sdelay $0x3  }
0x33: {  	p0 =	seq.s32 s10, $0x1;
	s10 =	sld [smem:$0x3FBA];
	_ =	sdelay $0x3  }
0x34: {  	[smem:$0x3FBA] =	sst s10  }
0x35: {  	s10 =	sld [smem:$0x3FB9];
	_ =	sdelay $0x3  }
0x36: {  	p1 =	seq.s32 s10, $0x1;
	s10 =	sld [smem:$0x3FBA];
	_ =	sdelay $0x3  }
0x37: {  	[smem:$0x3FBA] =	sst s10  }
0x38: {  	s10 =	sld [smem:$0x3FBB]  }
0x39: {  	_ = 	snop;
	(pc) =	sbr.ind lr, $3  }
0x3a: {  	_ = 	snop  }
0x3b: {  	_ = 	snop  }
0x3c: {  	p2 =	seq.s32 s10, $0x1;
	s10 =	sld [smem:$0x3FBA]  }
0x3d: {  	_ =	shalt  }
0x3e: {  	_ =	shalt  }
0x3f: {  	_ =	shalt  }
0x40: {  	_ =	shalt  }
0x41: {  	_ =	shalt  }
0x42: {  	_ =	shalt  }
0x43: {  	_ =	shalt  }
0x44: {  	_ =	shalt  }
0x45: {  	_ =	shalt  }
0x46: {  	_ =	shalt  }
0x47: {  	_ =	shalt  }
0x48: {  	_ =	shalt  }
0x49: {  	_ =	shalt  }
0x4a: {  	_ =	shalt  }
0x4b: {  	_ =	shalt  }
0x4c: {  	_ =	shalt  }
0x4d: {  	_ =	shalt  }
0x4e: {  	_ =	shalt  }
0x4f: {  	_ =	shalt  }
0x50: {  	_ =	shalt  }
0x51: {  	_ =	shalt  }
0x52: {  	_ =	shalt  }
0x53: {  	_ =	shalt  }
0x54: {  	_ =	shalt  }
0x55: {  	_ =	shalt  }
0x56: {  	_ =	shalt  }
0x57: {  	_ =	shalt  }
0x58: {  	_ =	shalt  }
0x59: {  	_ =	shalt  }
0x5a: {  	_ =	shalt  }
0x5b: {  	_ =	shalt  }
0x5c: {  	_ =	shalt  }
0x5d: {  	_ =	shalt  }
0x5e: {  	_ =	shalt  }
0x5f: {  	_ =	shalt  }
0x60: {  	_ =	shalt  }
0x61: {  	_ =	shalt  }
0x62: {  	_ =	shalt  }
0x63: {  	_ =	shalt  }
0x64: {  	_ =	shalt  }
0x65: {  	_ =	shalt  }
0x66: {  	_ =	shalt  }
0x67: {  	_ =	shalt  }
0x68: {  	_ =	shalt  }
0x69: {  	_ =	shalt  }
0x6a: {  	_ =	shalt  }
0x6b: {  	_ =	shalt  }
0x6c: {  	_ =	shalt  }
0x6d: {  	_ =	shalt  }
0x6e: {  	_ =	shalt  }
0x6f: {  	_ =	shalt  }
0x70: {  	_ =	shalt  }
0x71: {  	_ =	shalt  }
0x72: {  	_ =	shalt  }
0x73: {  	_ =	shalt  }
0x74: {  	_ =	shalt  }
0x75: {  	_ =	shalt  }
0x76: {  	_ =	shalt  }
0x77: {  	_ =	shalt  }
0x78: {  	_ =	shalt  }
0x79: {  	_ =	shalt  }
0x7a: {  	_ =	shalt  }
0x7b: {  	_ =	shalt  }
0x7c: {  	_ =	shalt  }
0x7d: {  	_ =	shalt  }
0x7e: {  	_ =	shalt  }
0x7f: {  	_ =	shalt  }
0x80: {  	_ =	shalt  }
0x81: {  	_ =	shalt  }
0x82: {  	_ =	shalt  }
0x83: {  	_ =	shalt  }
0x84: {  	_ =	shalt  }
0x85: {  	_ =	shalt  }
0x86: {  	_ =	shalt  }
0x87: {  	_ =	shalt  }
.Lfunc_end0:
.L_simem_size_0:
called_computation_lowered:
.L_overlay_start_0:
0x88: {  	s0 =	sld [smem:$0x3FD9]  }
0x89: {  	s1 =	sld [smem:$0x3FFE];
	_ =	sdelay $0x3  }
0x8a: {  	s0 =	sadd.s32 s1, s0  }
0x8b: {  	[smem:$0x3FC6] =	sst s0  }
0x8c: {  	_ = 	snop  }
0x8d: {  	s0 =	sld [smem:$0x3FC9]  }
0x8e: {  	s17 =	sld [smem:$0x3FC8]  }
0x8f: {  	s2 =	sld [smem:$0x3FD0];
	(tm) =	ssettm $0x1  }
0x90: {  	s3 =	sld [smem:$0x3FFB];
	_ =	sdelay $0x3  }
0x91: {  	_ =	strace s3  }
0x92: {  	s3 =	sld [smem:$0x3FFC];
	_ =	sdelay $0x3  }
0x93: {  	_ =	strace s3  }
0x94: {  	s3 =	sld [smem:$0x3FFD];
	_ =	sdelay $0x3  }
0x95: {  	_ =	strace s3  }
0x96: {  	_ =	strace $0x8FFFFFFF  }
0x97: {  	s18 =	sld [smem:$0x3FDB];
	_ =	sdelay $0x1  }
0x98: {  	s4 =	simm.s32 $_scs_section_size  }
0x99: {  	s5 =	simm.s32 $_size__tile_overlayer_lowered;
	s6 =	simm.s32 $_tile_overlayer_lowered  }
0x9a: {  	s21 =	simm.s32 $0x1BFF;
	s20 =	sshll.u32 s6, $0x1;
	s3 =	sadd.s32 s4, s18  }
0x9b: {  	s7 =	simm.s32 $0x0;
	s19 =	sshll.u32 s5, $0x1;
	s5 =	sadd.s32 s20, s3  }
0x9c: {  	[timem:s7], [sflag:s21] =	dma.local [hbm:s5], s19  }
0x9d: {  	_ =	swait.ge [sflag:s21], s19  }
0x9e: {  	s4 =	ssub.s32 $0x0, s19;
	[sflag:s21] =	ssyncset.done $0x0  }
0x9f: {  	[sflag:s21] =	ssyncadd.s32 s4;
	_ =	sdelay $0x1  }
0xa0: {  	s22 =	simm.s32 $0x1B8B  }
0xa1: {  	_ =	swait.ge [sflag:s22], $0x1  }
0xa2: {  	[sflag:s22] =	ssyncset.done $0x0  }
0xa3: {  	s23 =	simm.s32 $0x1B8E;
	[sflag:s22] =	ssyncadd.s32 $0xFFFFFFFF  }
0xa4: {  	s24 =	simm.s32 $execute0_lowered;
	[smem:$0x3FD2] =	sst s23  }
0xa5: {  	s4 =	sshll.u32 s24, $0x1;
	_ =	strace $0x80000046;
	[dreg:$0x1] =	wrdreg $0xFFFFFFFF  }
0xa6: {  	s25 =	simm.s32 $_size_execute0_lowered;
	s3 =	sadd.s32 s3, s4;
	[dreg:$0x0] =	wrdreg $0x0  }
0xa7: {  	s4 =	sshll.u32 s25, $0x1;
	[dreg:$0x2] =	wrdreg s3  }
0xa8: {  	[dreg:$0x3] =	wrdreg s4  }
0xa9: {  	[dreg:$0x4] =	wrdreg $0xC0  }
0xaa: {  	_ =	task [dreg:s7], $0x5FFFF  }
0xab: {  	[dreg:$0x1] =	wrdreg $0xFFFFFFFF  }
0xac: {  	[dreg:$0x0] =	wrdreg $0x60  }
0xad: {  	[dreg:$0x2] =	wrdreg s0  }
0xae: {  	[dreg:$0x3] =	wrdreg s17  }
0xaf: {  	[dreg:$0x4] =	wrdreg s2  }
0xb0: {  	[dreg:$0x5] =	wrdreg $0x9  }
0xb1: {  	_ =	task.clear_ibuf [dreg:s7], $0x6FFFF;
	_ =	strace $0x90000046  }
0xb2: {  	s26 =	simm.s32 $0x9;
	_ =	strace $0x80000048  }
0xb3: {  	_ =	swait.ge [sflag:s26], $0x1  }
0xb4: {  	[sflag:s26] =	ssyncadd.s32 $0xFFFFFFFF  }
0xb5: {  	_ =	strace $0x90000048  }
0xb6: {  	_ =	sfence  }
0xb7: {  	s28 =	sld [smem:$0x0];
	_ =	sdelay $0x1  }
0xb8: {  	s29 =	srdreg.scid  }
0xb9: {  	s30 =	sshll.u32 s29, $0xD;
	s31 =	sshrl.u32 s29, $0x2  }
0xba: {  	s1 =	sand.u32 $0x1, s29;
	s2 =	sand.u32 $0x4000, s30;
	s0 =	sadd.s32 s31, s28  }
0xbb: {  	s1 =	sor.u32 s2, s1;
	s0 =	sshll.u32 s0, $0x11  }
0xbc: {  	s0 =	sor.u32 s0, s1  }
0xbd: {  	s0 =	sadd.s32 $0x8F2B, s0  }
0xbe: {  	[sflag:s0] =	ssyncadd.remote.s32 $0x1  }
0xbf: {  	_ =	sfence.sel $0xFFFF  }
0xc0: {  	[dreg:$0x0] =	wrdreg $0xFFFFFFFF;
	(pc) =	sbr.abs _section_cstart, $3  }
0xc1: {  	[dreg:$0x1] =	wrdreg $0xFFFFFFFF  }
0xc2: {  	_ =	task.clear_ibuf [dreg:s7], $0x2FFFF;
	_ =	strace $0x9FFFFFFF  }
0xc3: {  	(tm) =	ssettm $0x7FFFFFFF  }
tec
execute0_lowered:
.L_overlay_start_1:
0x0: {  	(tag) =	ssettag $0x1  }
0x1: {  	s2 =	rddreg [dreg:$0x0]  }
0x2: {  	s5 =	rddreg [dreg:$0x1]  }
0x3: {  	s4 =	rddreg [dreg:$0x2]  }
0x4: {  	s1 =	stileid.u32;
	s0 =	rddreg [dreg:$0x3];
	s6 =	simm.s32 $0x0  }
0x5: {  	s28 =	simm.s32 $0x80;
	s9 =	simm.s32 $0x200;
	s3 =	sshrl.u32 s1, $0x2  }
0x6: {  	s7 =	sshll.u32 s1, $0xA;
	[smem:$0x7FF] =	sst s6;
	s8 =	sshll.u32 s3, $0x4  }
0x7: {  	p0 =	sgt.u32 s1, $0x3;
	s7 =	sand.u32 $0xC00, s7;
	s5 =	sadd.s32 s5, s8  }
0x8: {  	_ =	strace $0x80000047;
	s5 =	sadd.s32 s7, s5;
	s7 =	simm.s32 @!p0 $0x0  }
0x9: {  	[tilespmem:s6], [sflag:$0x2] =	stream.strided.gather [hbm4b:s5+s28], $0x800, s9, s28, $0x38;
	[tilespmem:$0x1000] =	vst v63  }
0xa: {  	s29 =	simm.s32 $0x2;
	[smem:$0x0] =	sst @!p0 s7  }
0xb: {  	_ =	swait.ge [sflag:s29], $0x800  }
0xc: {  	[sflag:s29] =	ssyncset.done $0x0  }
0xd: {  	s30 =	simm.s32 $0x0;
	[sflag:s29] =	ssyncadd.s32 $0xFFFFF800  }
0xe: {  	v1 =	vld [tilespmem:s30+$0x0]  }
0xf: {  	v2 =	vld [tilespmem:s30+$0x10]  }
0x10: {  	v3 =	vld [tilespmem:s30+$0x20]  }
0x11: {  	v4 =	vld [tilespmem:s30+$0x30]  }
0x12: {  	v5 =	vld [tilespmem:s30+$0x40]  }
0x13: {  	v0 =	vimm.s32 $0x0;
	vm0 =	vne.s32 v1, $0x0;
	v1 =	vld [tilespmem:s30+$0x50]  }
0x14: {  	v6 =	vsel vm0, $0x1, v0;
	vm0 =	vne.s32 v2, $0x0;
	v2 =	vld [tilespmem:s30+$0x60]  }
0x15: {  	v6 =	vadd.s32 v6, v0;
	v7 =	vsel vm0, $0x1, v0;
	vm0 =	vne.s32 v3, $0x0;
	v3 =	vld [tilespmem:s30+$0x70]  }
0x16: {  	v6 =	vadd.s32 v7, v6;
	v7 =	vsel vm0, $0x1, v0;
	vm0 =	vne.s32 v4, $0x0;
	v4 =	vld [tilespmem:s30+$0x80]  }
0x17: {  	v6 =	vadd.s32 v7, v6;
	v7 =	vsel vm0, $0x1, v0;
	vm0 =	vne.s32 v5, $0x0;
	v5 =	vld [tilespmem:s30+$0x90]  }
0x18: {  	v8 =	vld [tilespmem:s30+$0xA0];
	v6 =	vadd.s32 v7, v6;
	v7 =	vsel vm0, $0x1, v0;
	vm0 =	vne.s32 v1, $0x0  }
0x19: {  	v1 =	vld [tilespmem:s30+$0xB0];
	v6 =	vadd.s32 v7, v6;
	v7 =	vsel vm0, $0x1, v0;
	vm0 =	vne.s32 v2, $0x0  }
0x1a: {  	v2 =	vld [tilespmem:s30+$0xC0];
	v6 =	vadd.s32 v7, v6;
	v7 =	vsel vm0, $0x1, v0;
	vm0 =	vne.s32 v3, $0x0  }
0x1b: {  	s31 =	sshll.u32 s1, $0x4;
	v3 =	vld [tilespmem:s30+$0xD0];
	v6 =	vadd.s32 v7, v6;
	v7 =	vsel vm0, $0x1, v0;
	vm0 =	vne.s32 v4, $0x0  }
0x1c: {  	s4 =	sadd.s32 s4, s31;
	v4 =	vld [tilespmem:s30+$0xE0];
	v6 =	vadd.s32 v7, v6;
	v7 =	vsel vm0, $0x1, v0;
	vm0 =	vne.s32 v5, $0x0  }
0x1d: {  	s5 =	sshll.u32 s1, $0x18;
	s6 =	simm.s32 $0x100;
	s7 =	simm.s32 $0x800;
	v5 =	vld [tilespmem:s30+$0xF0];
	v6 =	vadd.s32 v7, v6;
	v7 =	vsel vm0, $0x1, v0;
	vm0 =	vne.s32 v8, $0x0  }
.LBB2_1:
0x1e: {  	p1 =	sne.s32 s7, $0x1C00;
	v8 =	vld [tilespmem:s6+$0x0];
	v6 =	vadd.s32 v7, v6;
	v7 =	vsel vm0, $0x1, v0;
	vm0 =	vne.s32 v1, $0x0  }
0x1f: {  	v1 =	vld [tilespmem:s6+$0x10];
	v6 =	vadd.s32 v7, v6;
	v7 =	vsel vm0, $0x1, v0;
	vm0 =	vne.s32 v2, $0x0  }
0x20: {  	v2 =	vld [tilespmem:s6+$0x20];
	v6 =	vadd.s32 v7, v6;
	v7 =	vsel vm0, $0x1, v0;
	vm0 =	vne.s32 v3, $0x0  }
0x21: {  	v3 =	vld [tilespmem:s6+$0x30];
	v6 =	vadd.s32 v7, v6;
	v7 =	vsel vm0, $0x1, v0;
	vm0 =	vne.s32 v4, $0x0  }
0x22: {  	v4 =	vld [tilespmem:s6+$0x40];
	v6 =	vadd.s32 v7, v6;
	v7 =	vsel vm0, $0x1, v0;
	vm0 =	vne.s32 v5, $0x0  }
0x23: {  	vm1 =	vne.s32 v8, $0x0;
	v5 =	vld [tilespmem:s6+$0x50];
	v6 =	vadd.s32 v7, v6;
	v7 =	vsel vm0, $0x1, v0  }
0x24: {  	v8 =	vsel vm1, $0x1, v0;
	vm0 =	vne.s32 v1, $0x0;
	v1 =	vld [tilespmem:s6+$0x60];
	v6 =	vadd.s32 v7, v6  }
0x25: {  	v6 =	vadd.s32 v8, v6;
	v7 =	vsel vm0, $0x1, v0;
	vm0 =	vne.s32 v2, $0x0;
	v2 =	vld [tilespmem:s6+$0x70]  }
0x26: {  	v6 =	vadd.s32 v7, v6;
	v7 =	vsel vm0, $0x1, v0;
	vm0 =	vne.s32 v3, $0x0;
	v3 =	vld [tilespmem:s6+$0x80]  }
0x27: {  	v6 =	vadd.s32 v7, v6;
	v7 =	vsel vm0, $0x1, v0;
	vm0 =	vne.s32 v4, $0x0;
	v4 =	vld [tilespmem:s6+$0x90]  }
0x28: {  	v6 =	vadd.s32 v7, v6;
	v7 =	vsel vm0, $0x1, v0;
	vm0 =	vne.s32 v5, $0x0;
	v5 =	vld [tilespmem:s6+$0xA0]  }
.Ltmp0:
0x29: {  	v6 =	vadd.s32 v7, v6;
	v7 =	vsel vm0, $0x1, v0;
	vm0 =	vne.s32 v1, $0x0;
	v1 =	vld [tilespmem:s6+$0xB0];
	(pc) =	sbr.rel @p1 .LBB2_1-.Ltmp0, $4  }
0x2a: {  	v6 =	vadd.s32 v7, v6;
	v7 =	vsel vm0, $0x1, v0;
	vm0 =	vne.s32 v2, $0x0;
	v2 =	vld [tilespmem:s6+$0xC0]  }
0x2b: {  	v6 =	vadd.s32 v7, v6;
	v7 =	vsel vm0, $0x1, v0;
	vm0 =	vne.s32 v3, $0x0;
	v3 =	vld [tilespmem:s6+$0xD0]  }
0x2c: {  	v6 =	vadd.s32 v7, v6;
	v7 =	vsel vm0, $0x1, v0;
	vm0 =	vne.s32 v4, $0x0;
	v4 =	vld [tilespmem:s6+$0xE0]  }
0x2d: {  	v6 =	vadd.s32 v7, v6;
	v7 =	vsel vm0, $0x1, v0;
	vm0 =	vne.s32 v5, $0x0;
	v5 =	vld [tilespmem:s6+$0xF0];
	s6 =	sshra.s32 s7, $0x2;
	s7 =	sadd.s32 $0x400, s7  }
0x2e: {  	v8 =	vld [tilespmem:s6+$0x0];
	v6 =	vadd.s32 v7, v6;
	v28 =	vsel vm0, $0x1, v0;
	vm8 =	vne.s32 v1, $0x0  }
0x2f: {  	v29 =	vld [tilespmem:s6+$0x10];
	v6 =	vadd.s32 v28, v6;
	v30 =	vsel vm8, $0x1, v0;
	vm9 =	vne.s32 v2, $0x0  }
0x30: {  	v31 =	vld [tilespmem:s6+$0x20];
	v6 =	vadd.s32 v30, v6;
	v32 =	vsel vm9, $0x1, v0;
	vm10 =	vne.s32 v3, $0x0  }
0x31: {  	v33 =	vld [tilespmem:s6+$0x30];
	v6 =	vadd.s32 v32, v6;
	v34 =	vsel vm10, $0x1, v0;
	vm11 =	vne.s32 v4, $0x0  }
0x32: {  	v35 =	vld [tilespmem:s6+$0x40];
	v6 =	vadd.s32 v34, v6;
	v36 =	vsel vm11, $0x1, v0;
	vm12 =	vne.s32 v5, $0x0  }
0x33: {  	v37 =	vld [tilespmem:s6+$0x50];
	vm1 =	vne.s32 v8, $0x0;
	v6 =	vadd.s32 v36, v6;
	v38 =	vsel vm12, $0x1, v0  }
0x34: {  	v39 =	vld [tilespmem:s6+$0x60];
	vm13 =	vne.s32 v29, $0x0;
	v8 =	vsel vm1, $0x1, v0;
	v6 =	vadd.s32 v38, v6  }
0x35: {  	v41 =	vld [tilespmem:s6+$0x70];
	vm14 =	vne.s32 v31, $0x0;
	v40 =	vsel vm13, $0x1, v0;
	v6 =	vadd.s32 v8, v6  }
0x36: {  	v43 =	vld [tilespmem:s6+$0x80];
	vm15 =	vne.s32 v33, $0x0;
	v42 =	vsel vm14, $0x1, v0;
	v6 =	vadd.s32 v40, v6  }
0x37: {  	v45 =	vld [tilespmem:s6+$0x90];
	vm4 =	vne.s32 v35, $0x0;
	v44 =	vsel vm15, $0x1, v0;
	v6 =	vadd.s32 v42, v6  }
0x38: {  	v47 =	vld [tilespmem:s6+$0xA0];
	vm5 =	vne.s32 v37, $0x0;
	v46 =	vsel vm4, $0x1, v0;
	v6 =	vadd.s32 v44, v6  }
0x39: {  	v49 =	vld [tilespmem:s6+$0xB0];
	vm6 =	vne.s32 v39, $0x0;
	v48 =	vsel vm5, $0x1, v0;
	v6 =	vadd.s32 v46, v6  }
0x3a: {  	v51 =	vld [tilespmem:s6+$0xC0];
	vm7 =	vne.s32 v41, $0x0;
	v50 =	vsel vm6, $0x1, v0;
	v6 =	vadd.s32 v48, v6  }
0x3b: {  	v53 =	vld [tilespmem:s6+$0xD0];
	vm8 =	vne.s32 v43, $0x0;
	v52 =	vsel vm7, $0x1, v0;
	v6 =	vadd.s32 v50, v6  }
0x3c: {  	v55 =	vld [tilespmem:s6+$0xE0];
	vm9 =	vne.s32 v45, $0x0;
	v54 =	vsel vm8, $0x1, v0;
	v6 =	vadd.s32 v52, v6  }
0x3d: {  	v57 =	vld [tilespmem:s6+$0xF0];
	vm10 =	vne.s32 v47, $0x0;
	v56 =	vsel vm9, $0x1, v0;
	v6 =	vadd.s32 v54, v6  }
0x3e: {  	vm11 =	vne.s32 v49, $0x0;
	v58 =	vsel vm10, $0x1, v0;
	v6 =	vadd.s32 v56, v6  }
0x3f: {  	vm12 =	vne.s32 v51, $0x0;
	v60 =	vsel vm11, $0x1, v0;
	v59 =	vadd.s32 v58, v6  }
0x40: {  	v2 =	vsel vm12, $0x1, v0;
	vm13 =	vne.s32 v53, $0x0;
	v1 =	vadd.s32 v60, v59  }
0x41: {  	vm14 =	vne.s32 v55, $0x0;
	v61 =	vsel vm13, $0x1, v0;
	v1 =	vadd.s32 v2, v1  }
0x42: {  	vm15 =	vne.s32 v57, $0x0;
	v62 =	vsel vm14, $0x1, v0;
	v1 =	vadd.s32 v61, v1  }
0x43: {  	v63 =	vsel vm15, $0x1, v0;
	v1 =	vadd.s32 v62, v1  }
0x44: {  	v0 =	vadd.s32 v63, v1  }
0x45: {  	(xrf0) =	vadd.scan.msk.s32 $0xffff, v0;
	_ =	sdelay $0x5  }
0x46: {  	v0, _, _ =	vpop (xrf0)  }
0x47: {  	(v2sf) =	vpush v0, $0xF;
	_ =	sdelay $0xe  }
0x48: {  	s31 =	spop (v2sf)  }
0x49: {  	s7 =	simm.s32 $0x1;
	[bflag:$0x0] =	sbarrier.arrive $0xFFFF  }
0x4a: {  	s3 =	sshll.u32 s3, $0x10;
	[sflag:s7] =	ssyncset.done $0x0  }
0x4b: {  	[smem:s3], [sflag:$0x1] =	smem.add.s32 s31  }
0x4c: {  	_ =	swait.done [sflag:s7]  }
0x4d: {  	[sflag:s7] =	ssyncset.s32 $0x0  }
0x4e: {  	[sflag:s7] =	ssyncset.done $0x0  }
0x4f: {  	[bflag:$0x0] =	sbarrier.arrive $0xFFFF  }
0x50: {  	s3 =	sld @!p0 [smem:$0x0];
	_ =	sdelay $0x2  }
0x51: {  	s3 =	sadd.s32 @!p0 $0xFFFFFFFF, s3  }
0x52: {  	p1 =	sgt.s32 @!p0 s3, $0x0  }
0x53: {  	p1 =	por !p1, p0  }
0x54: {  	s3 =	simm.s32 @p1 $0x0  }
0x55: {  	s6 =	sshll.u32 @!p0 s3, $0xB  }
0x56: {  	s3 =	sshll.u32 @!p0 s3, $0x7;
	s6 =	sand.u32 @!p0 $0xFFFFC000, s6  }
0x57: {  	s3 =	sand.u32 @!p0 $0x380, s3;
	s5 =	sadd.s32 @!p0 s5, s6  }
0x58: {  	s3 =	sor.u32 @!p0 s3, s5  }
0x59: {  	s6 =	simm.s32 @!p0 $0x800;
	s3 =	sshrl.u32 @!p0 s3, $0x3  }
0x5a: {  	s5 =	simm.s32 @!p0 $0x400;
	s2 =	sadd.s32 @!p0 s2, s3;
	s3 =	simm.s32 @!p0 $0x80  }
0x5b: {  	[tilespmem:s6], [sflag:$0x2] =	stream.strided.gather @!p0 [hbm4b:s2+s3], $0x800, s5, s3, $0x38;
	[tilespmem:$0x1000] =	vst v63  }
0x5c: {  	s2 =	simm.s32 @!p0 $0x2  }
0x5d: {  	_ =	swait.ge @!p0 [sflag:s2], $0x800  }
0x5e: {  	[sflag:s2] =	ssyncset.done @!p0 $0x0  }
0x5f: {  	s5 =	simm.s32 @!p0 $0x200;
	[sflag:s2] =	ssyncadd.s32 @!p0 $0xFFFFF800  }
0x60: {  	[hbm4b:s4+s3] =	stream.strided.scatter @!p0 [tilespmem:s6], [sflag:$0x2], $0x800, s5, s3, $0x38;
	[tilespmem:$0x1000] =	vst v63  }
0x61: {  	_ =	swait.ge @!p0 [sflag:s2], $0x800  }
0x62: {  	[sflag:s2] =	ssyncset.done @!p0 $0x0  }
0x63: {  	[sflag:s2] =	ssyncadd.s32 @!p0 $0xFFFFF800  }
0x64: {  	_ =	sfence.sel $0x180000  }
0x65: {  	[bflag:$0x0] =	sbarrier.arrive $0xFFFF  }
0x66: {  	p0 =	sne.s32 s1, $0x0;
	_ =	strace $0x90000047  }
0x67: {  	s0 =	sadd.s32 @!p0 $0x100000, s0;
	[bflag:$0x2] =	sbarrier.arrive $0xFFFF  }
0x68: {  	[sflag:s0] =	ssyncadd.tile.s32 @!p0 $0x1;
	_ =	shalt  }
.Lfunc_end2:
_tile_overlayer_lowered:
.L_overlay_start_2:
0x69: {  	(tag) =	ssettag $0x2  }
0x6a: {  	s0 =	rddreg [dreg:$0x0];
	s2 =	stileid.u32  }
0x6b: {  	s1 =	rddreg [dreg:$0x1];
	p0 =	sne.s32 s2, $0x0  }
0x6c: {  	s3 =	rddreg [dreg:$0x2];
	[bflag:$0x3] =	sbarrier.arrive $0xFFFF;
	s2 =	simm.s32 @!p0 $0x1C01  }
0x6d: {  	[timem:s3], [sflag:s2] =	dma.local @!p0 [hbm:s0], s1  }
0x6e: {  	s0 =	simm.s32 @!p0 $0x1  }
0x6f: {  	_ =	swait.ge @!p0 [sflag:s0], s1  }
0x70: {  	s1 =	ssub.s32 @!p0 $0x0, s1;
	[sflag:s0] =	ssyncset.done @!p0 $0x0  }
0x71: {  	[sflag:s0] =	ssyncadd.s32 @!p0 s1  }
0x72: {  	[bflag:$0x3] =	sbarrier.arrive $0xFFFF  }
0x73: {  	_ =	shalt  }

</sc_bundles>
